<compile_context>
chip_gen: v7x
topology: tpu7x:2x2x1
jax: 0.10.2.dev20260603
libtpu: 0.0.44.dev20260713+nightly
codegen_flags: <defaults>
</compile_context>

<pallas_src>
import functools

import jax
import jax.numpy as jnp
from jax import lax
from jax.experimental import pallas as pl
from jax.experimental.pallas import tpu as pltpu
from jax.experimental.pallas import tpu_sc as plsc

N = 10000
E = 320000
H = 128
G = 50
F = 128
CUTOFF = 10.0

NC = 2
NS = 16
NW = NC * NS
EPW = E // NW
K = 80
STEPS = EPW // K
RPT = 640
NPAD = NS * RPT

_LOG2 = 0.6931471805599453


def _ssp(v):
    return jnp.maximum(v, 0.0) + jnp.log1p(jnp.exp(-jnp.abs(v))) - _LOG2


def _h_body(x_ref, w_ref, o_ref):
    o_ref[...] = jnp.dot(x_ref[...], w_ref[...], preferred_element_type=jnp.float32)


def _compute_h(x, w1t):
    bn = 2000
    return pl.pallas_call(
        _h_body,
        grid=(N // bn,),
        in_specs=[
            pl.BlockSpec((bn, H), lambda i: (i, 0)),
            pl.BlockSpec((H, F), lambda i: (0, 0)),
        ],
        out_specs=pl.BlockSpec((bn, F), lambda i: (i, 0)),
        out_shape=jax.ShapeDtypeStruct((N, F), jnp.float32),
    )(x, w1t)


def _wf_body(attr_ref, len_ref, w1_ref, b1_ref, w2_ref, b2_ref, o_ref):
    a = attr_ref[...]
    hid = jnp.dot(a, w1_ref[...], preferred_element_type=jnp.float32) + b1_ref[...][None, :]
    hid = _ssp(hid)
    wf = jnp.dot(hid, w2_ref[...], preferred_element_type=jnp.float32) + b2_ref[...][None, :]
    el = len_ref[...]
    c = 0.5 * (jnp.cos(el * (jnp.pi / CUTOFF)) + 1.0)
    c = c * (el <= CUTOFF).astype(jnp.float32) * (el >= 0.0).astype(jnp.float32)
    o_ref[...] = wf * c


def _compute_wfilt(edge_attr, edge_len2, mw1t, mb1, mw2t, mb2):
    be = 2000
    return pl.pallas_call(
        _wf_body,
        grid=(E // be,),
        in_specs=[
            pl.BlockSpec((be, G), lambda i: (i, 0)),
            pl.BlockSpec((be, 1), lambda i: (i, 0)),
            pl.BlockSpec((G, F), lambda i: (0, 0)),
            pl.BlockSpec((F,), lambda i: (0,)),
            pl.BlockSpec((F, F), lambda i: (0, 0)),
            pl.BlockSpec((F,), lambda i: (0,)),
        ],
        out_specs=pl.BlockSpec((be, F), lambda i: (i, 0)),
        out_shape=jax.ShapeDtypeStruct((E, F), jnp.float32),
    )(edge_attr, edge_len2, mw1t, mb1, mw2t, mb2)


def _sc_body(h_hbm, src_hbm, dst_hbm, wf_hbm, z_hbm,
             mij_hbm, part_hbm,
             srcv, dstv, rows, wfv, acc, sem):
    cid = lax.axis_index("c")
    sid = lax.axis_index("s")
    wid = sid * NC + cid

    pltpu.sync_copy(z_hbm, acc.at[pl.ds(sid * RPT, RPT)])
    plsc.subcore_barrier()

    e0 = wid * EPW

    def step(t, carry):
        base = e0 + t * K
        pltpu.sync_copy(src_hbm.at[wid, t], srcv)
        pltpu.sync_copy(dst_hbm.at[wid, t], dstv)
        cp = pltpu.async_copy(h_hbm.at[srcv], rows, sem)
        pltpu.sync_copy(wf_hbm.at[pl.ds(base, K)], wfv)
        cp.wait()

        def mulrow(r, c2):
            for c in range(F // 16):
                rows[r, pl.ds(c * 16, 16)] = (
                    rows[r, pl.ds(c * 16, 16)] * wfv[r, pl.ds(c * 16, 16)]
                )
            return c2

        lax.fori_loop(0, K, mulrow, 0)
        pltpu.sync_copy(rows, mij_hbm.at[pl.ds(base, K)])
        pltpu.sync_copy(rows, acc.at[dstv], add=True)
        return carry

    lax.fori_loop(0, STEPS, step, 0)
    plsc.subcore_barrier()
    pltpu.sync_copy(acc.at[pl.ds(sid * RPT, RPT)],
                    part_hbm.at[pl.ds(cid * NPAD + sid * RPT, RPT)])


@functools.cache
def _get_sc_call():
    return pl.kernel(
        _sc_body,
        out_type=(
            jax.ShapeDtypeStruct((E, F), jnp.float32),
            jax.ShapeDtypeStruct((2 * NPAD, F), jnp.float32),
        ),
        mesh=plsc.VectorSubcoreMesh(core_axis_name="c", subcore_axis_name="s"),
        scratch_types=[
            pltpu.VMEM((K,), jnp.int32),
            pltpu.VMEM((K,), jnp.int32),
            pltpu.VMEM((K, F), jnp.float32),
            pltpu.VMEM((K, F), jnp.float32),
            pltpu.VMEM_SHARED((NPAD, F), jnp.float32),
            pltpu.SemaphoreType.DMA,
        ],
    )


def _out_body(x_ref, p0_ref, p1_ref, w2_ref, b2_ref, wlx_ref, wlm_ref, bl_ref, o_ref):
    m = p0_ref[...] + p1_ref[...]
    t = jnp.dot(m, w2_ref[...], preferred_element_type=jnp.float32) + b2_ref[...][None, :]
    t = _ssp(t)
    o_ref[...] = (
        jnp.dot(x_ref[...], wlx_ref[...], preferred_element_type=jnp.float32)
        + jnp.dot(t, wlm_ref[...], preferred_element_type=jnp.float32)
        + bl_ref[...][None, :]
    )


def _compute_out(x, p0, p1, w2t, b2, wlxt, wlmt, blin):
    bn = 2000
    return pl.pallas_call(
        _out_body,
        grid=(N // bn,),
        in_specs=[
            pl.BlockSpec((bn, H), lambda i: (i, 0)),
            pl.BlockSpec((bn, F), lambda i: (i, 0)),
            pl.BlockSpec((bn, F), lambda i: (i, 0)),
            pl.BlockSpec((F, H), lambda i: (0, 0)),
            pl.BlockSpec((H,), lambda i: (0,)),
            pl.BlockSpec((H, H), lambda i: (0, 0)),
            pl.BlockSpec((H, H), lambda i: (0, 0)),
            pl.BlockSpec((H,), lambda i: (0,)),
        ],
        out_specs=pl.BlockSpec((bn, H), lambda i: (i, 0)),
        out_shape=jax.ShapeDtypeStruct((N, H), jnp.float32),
    )(x, p0, p1, w2t, b2, wlxt, wlmt, blin)


def kernel(x, edge_index, edge_length, edge_attr,
           W1, mlp_w1, mlp_b1, mlp_w2, mlp_b2, W2, b2, Wlin, blin):
    h = _compute_h(x, W1.T)
    wf = _compute_wfilt(edge_attr, edge_length.reshape(E, 1),
                        mlp_w1.T, mlp_b1, mlp_w2.T, mlp_b2)
    src2 = edge_index[0].reshape(NW, STEPS, K)
    dst2 = edge_index[1].reshape(NW, STEPS, K)
    z = jnp.zeros((RPT, F), jnp.float32)
    mij, part = _get_sc_call()(h, src2, dst2, wf, z)
    out = _compute_out(x, part[:N], part[NPAD:NPAD + N], W2.T, b2,
                       Wlin[:, :H].T, Wlin[:, H:].T, blin)
    return out, mij

# --- scband reference (transcript-rebuilt; emitter-appended) ---
"""Pipeline reference for scband-interaction-block-8564164788999 (READ-ONLY COPY).

The authoritative reference and input builder live on the scoring server;
editing this copy changes nothing except your own understanding.
"""

import jax, jax.numpy as jnp
import numpy as np

N = 10000
E = 320000
H = 128   # hidden_channels
G = 50    # num_gaussians
F = 128   # num_filters
CUTOFF = 10.0


def setup_inputs(seed: int = 0) -> dict:
    key = jax.random.key(seed)
    ks = jax.random.split(key, 13)
    x = jax.random.normal(ks[0], (N, H), dtype=jnp.float32)
    edge_index = jax.random.randint(ks[1], (2, E), 0, N)
    edge_length = jax.random.uniform(ks[2], (E,), dtype=jnp.float32)
    edge_attr = jax.random.normal(ks[3], (E, G), dtype=jnp.float32)
    # learned parameters (torch Linear convention: weight [out, in])
    W1 = jax.random.normal(ks[4], (F, H), dtype=jnp.float32) * (1.0 / np.sqrt(H))      # conv.lin1 (no bias)
    mlp_w1 = jax.random.normal(ks[5], (F, G), dtype=jnp.float32) * (1.0 / np.sqrt(G))  # mlp Linear 1
    mlp_b1 = jnp.zeros((F,), dtype=jnp.float32)
    mlp_w2 = jax.random.normal(ks[6], (F, F), dtype=jnp.float32) * (1.0 / np.sqrt(F))  # mlp Linear 2
    mlp_b2 = jnp.zeros((F,), dtype=jnp.float32)
    W2 = jax.random.normal(ks[7], (H, F), dtype=jnp.float32) * (1.0 / np.sqrt(F))      # conv.lin2
    b2 = jnp.zeros((H,), dtype=jnp.float32)
    Wlin = jax.random.normal(ks[8], (H, 2 * H), dtype=jnp.float32) * (1.0 / np.sqrt(2 * H))  # self.lin
    blin = jnp.zeros((H,), dtype=jnp.float32)
    return {
        "x": x,
        "edge_index": edge_index,
        "edge_length": edge_length,
        "edge_attr": edge_attr,
        "W1": W1,
        "mlp_w1": mlp_w1,
        "mlp_b1": mlp_b1,
        "mlp_w2": mlp_w2,
        "mlp_b2": mlp_b2,
        "W2": W2,
        "b2": b2,
        "Wlin": Wlin,
        "blin": blin,
    }


def reference(x, edge_index, edge_length, edge_attr,
              W1, mlp_w1, mlp_b1, mlp_w2, mlp_b2, W2, b2, Wlin, blin):
    shift = jnp.log(2.0)

    def ssp(v):
        return jax.nn.softplus(v) - shift

    # smooth cutoff envelope
    C = 0.5 * (jnp.cos(edge_length * jnp.pi / CUTOFFF_safe()) + 1.0) if False else 0.5 * (jnp.cos(edge_length * jnp.pi / CUTOFF) + 1.0)
    C = C * (edge_length <= CUTOFF).astype(C.dtype) * (edge_length >= 0.0).astype(C.dtype)
    # filter-generating MLP
    hidden = ssp(edge_attr @ mlp_w1.T + mlp_b1)
    Wfilt = (hidden @ mlp_w2.T + mlp_b2) * C[:, None]
    # message passing
    h = x @ W1.T
    src = edge_index[0]
    dst = edge_index[1]
    m_ij = jnp.take(h, src, axis=0) * Wfilt
    m_i = jax.ops.segment_sum(m_ij, dst, num_segments=N)
    m_i = m_i @ W2.T + b2
    m_i = ssp(m_i)
    out = jnp.concatenate([x, m_i], axis=1) @ Wlin.T + blin
    return (out, m_ij)


def CUTOFFF_safe():
    return CUTOFF

if __name__ == "__main__":
    import jax
    _d = setup_inputs()
    print(jax.jit(kernel)(*tuple(_d.values())))

</pallas_src>

<mosaic_0001>
#map = affine_map<(d0, d1) -> (0, 0)>
#map1 = affine_map<(d0, d1) -> (0, 0, 0)>
module attributes {stable_mosaic.version = 14 : i64} {
  func.func @_sc_body(%arg0: i32, %arg1: i32, %arg2: memref<10000x128xf32, #tpu.memory_space<hbm>>, %arg3: memref<32x125x80xi32, #tpu.memory_space<hbm>>, %arg4: memref<32x125x80xi32, #tpu.memory_space<hbm>>, %arg5: memref<320000x128xf32, #tpu.memory_space<hbm>>, %arg6: memref<640x128xf32, #tpu.memory_space<hbm>>, %arg7: memref<320000x128xf32, #tpu.memory_space<hbm>>, %arg8: memref<20480x128xf32, #tpu.memory_space<hbm>>, %arg9: memref<80xi32, #tpu.memory_space<vmem>>, %arg10: memref<80xi32, #tpu.memory_space<vmem>>, %arg11: memref<80x128xf32, #tpu.memory_space<vmem>>, %arg12: memref<80x128xf32, #tpu.memory_space<vmem>>, %arg13: memref<10240x128xf32, #tpu.memory_space<vmem_shared>>, %arg14: memref<!tpu.dma_semaphore, #tpu.memory_space<semaphore_mem>>) attributes {dimension_semantics = [#tpu.dimension_semantics<core_parallel>, #tpu.dimension_semantics<subcore_parallel>], iteration_bounds = array<i64: 2, 16>, scalar_prefetch = 0 : i64, scratch_operands = 6 : i64, tpu.core_type = #tpu.core_type<sc_vector_subcore>, window_params = [{transform_indices = #map}, {transform_indices = #map1}, {transform_indices = #map1}, {transform_indices = #map}, {transform_indices = #map}, {transform_indices = #map}, {transform_indices = #map}]} {
    %mul3A = arith.constant 2 : i32
    %mul3A_0 = arith.muli %arg1, %mul3A : i32
    %add3A = arith.addi %mul3A_0, %arg0 : i32
    %mul3A_1 = arith.constant 640 : i32
    %mul3A_2 = arith.muli %arg1, %mul3A_1 : i32
    "tpu.region"() ({
      %run_scoped3A = tpu.sem_alloc : memref<!tpu.dma_semaphore, #tpu.memory_space<semaphore_mem>>
      %dma_start3A = arith.constant 0 : i32
      %dma_start3A_18 = tpu.memref_slice %arg13[%mul3A_2, %dma_start3A] : memref<10240x128xf32, #tpu.memory_space<vmem_shared>> -> memref<640x128xf32, #tpu.memory_space<vmem_shared>>
      tpu.enqueue_dma source(%arg6 : memref<640x128xf32, #tpu.memory_space<hbm>>) target(%dma_start3A_18 : memref<640x128xf32, #tpu.memory_space<vmem_shared>>) target_semaphore(%run_scoped3A : memref<!tpu.dma_semaphore, #tpu.memory_space<semaphore_mem>>)
      %dma_wait3A = arith.constant 0 : i32
      %dma_wait3A_19 = tpu.memref_slice %arg13[%mul3A_2, %dma_wait3A] : memref<10240x128xf32, #tpu.memory_space<vmem_shared>> -> memref<640x128xf32, #tpu.memory_space<vmem_shared>>
      tpu.wait_dma2 semaphore(%run_scoped3A : memref<!tpu.dma_semaphore, #tpu.memory_space<semaphore_mem>>) src(%arg6 : memref<640x128xf32, #tpu.memory_space<hbm>>) dst(%dma_wait3A_19 : memref<640x128xf32, #tpu.memory_space<vmem_shared>>)
      tpu.yield
    }) : () -> ()
    %barrier3A = arith.constant 0 : index
    tpu.barrier barrier_id(%barrier3A)
    %mul3A_3 = arith.constant 10000 : i32
    %mul3A_4 = arith.muli %add3A, %mul3A_3 : i32
    %scan3A = arith.constant 0 : i32
    %scan3A_5 = arith.constant 0 : i32
    %scan3A_6 = arith.constant 125 : i32
    %scan3A_7 = arith.addi %scan3A_5, %scan3A_6 : i32
    %scan3A_8 = arith.constant 1 : i32
    scf.for %scan3A_18 = %scan3A_5 to %scan3A_7 step %scan3A_8  : i32 {
      %mul3A_19 = arith.constant 80 : i32
      %mul3A_20 = arith.muli %scan3A_18, %mul3A_19 : i32
      %add3A_21 = arith.addi %mul3A_4, %mul3A_20 : i32
      "tpu.region"() ({
        %run_scoped3A = tpu.sem_alloc : memref<!tpu.dma_semaphore, #tpu.memory_space<semaphore_mem>>
        %dma_start3A_32 = arith.constant 0 : i32
        %dma_start3A_33 = tpu.memref_slice %arg3[%add3A, %scan3A_18, %dma_start3A_32] : memref<32x125x80xi32, #tpu.memory_space<hbm>> -> memref<1x1x80xi32, #tpu.memory_space<hbm>>
        %dma_start3A_34 = tpu.memref_squeeze %dma_start3A_33 : memref<1x1x80xi32, #tpu.memory_space<hbm>> -> memref<80xi32, #tpu.memory_space<hbm>>
        %dma_start3A_35 = arith.constant 0 : i32
        %dma_start3A_36 = tpu.memref_slice %arg3[%add3A, %scan3A_18, %dma_start3A_35] : memref<32x125x80xi32, #tpu.memory_space<hbm>> -> memref<1x1x80xi32, #tpu.memory_space<hbm>>
        %dma_start3A_37 = tpu.memref_squeeze %dma_start3A_36 : memref<1x1x80xi32, #tpu.memory_space<hbm>> -> memref<80xi32, #tpu.memory_space<hbm>>
        tpu.enqueue_dma source(%dma_start3A_37 : memref<80xi32, #tpu.memory_space<hbm>>) target(%arg9 : memref<80xi32, #tpu.memory_space<vmem>>) target_semaphore(%run_scoped3A : memref<!tpu.dma_semaphore, #tpu.memory_space<semaphore_mem>>)
        %dma_wait3A_38 = arith.constant 0 : i32
        %dma_wait3A_39 = tpu.memref_slice %arg3[%add3A, %scan3A_18, %dma_wait3A_38] : memref<32x125x80xi32, #tpu.memory_space<hbm>> -> memref<1x1x80xi32, #tpu.memory_space<hbm>>
        %dma_wait3A_40 = tpu.memref_squeeze %dma_wait3A_39 : memref<1x1x80xi32, #tpu.memory_space<hbm>> -> memref<80xi32, #tpu.memory_space<hbm>>
        %dma_wait3A_41 = arith.constant 0 : i32
        %dma_wait3A_42 = tpu.memref_slice %arg3[%add3A, %scan3A_18, %dma_wait3A_41] : memref<32x125x80xi32, #tpu.memory_space<hbm>> -> memref<1x1x80xi32, #tpu.memory_space<hbm>>
        %dma_wait3A_43 = tpu.memref_squeeze %dma_wait3A_42 : memref<1x1x80xi32, #tpu.memory_space<hbm>> -> memref<80xi32, #tpu.memory_space<hbm>>
        tpu.wait_dma2 semaphore(%run_scoped3A : memref<!tpu.dma_semaphore, #tpu.memory_space<semaphore_mem>>) src(%dma_wait3A_43 : memref<80xi32, #tpu.memory_space<hbm>>) dst(%arg9 : memref<80xi32, #tpu.memory_space<vmem>>)
        tpu.yield
      }) : () -> ()
      "tpu.region"() ({
        %run_scoped3A = tpu.sem_alloc : memref<!tpu.dma_semaphore, #tpu.memory_space<semaphore_mem>>
        %dma_start3A_32 = arith.constant 0 : i32
        %dma_start3A_33 = tpu.memref_slice %arg4[%add3A, %scan3A_18, %dma_start3A_32] : memref<32x125x80xi32, #tpu.memory_space<hbm>> -> memref<1x1x80xi32, #tpu.memory_space<hbm>>
        %dma_start3A_34 = tpu.memref_squeeze %dma_start3A_33 : memref<1x1x80xi32, #tpu.memory_space<hbm>> -> memref<80xi32, #tpu.memory_space<hbm>>
        %dma_start3A_35 = arith.constant 0 : i32
        %dma_start3A_36 = tpu.memref_slice %arg4[%add3A, %scan3A_18, %dma_start3A_35] : memref<32x125x80xi32, #tpu.memory_space<hbm>> -> memref<1x1x80xi32, #tpu.memory_space<hbm>>
        %dma_start3A_37 = tpu.memref_squeeze %dma_start3A_36 : memref<1x1x80xi32, #tpu.memory_space<hbm>> -> memref<80xi32, #tpu.memory_space<hbm>>
        tpu.enqueue_dma source(%dma_start3A_37 : memref<80xi32, #tpu.memory_space<hbm>>) target(%arg10 : memref<80xi32, #tpu.memory_space<vmem>>) target_semaphore(%run_scoped3A : memref<!tpu.dma_semaphore, #tpu.memory_space<semaphore_mem>>)
        %dma_wait3A_38 = arith.constant 0 : i32
        %dma_wait3A_39 = tpu.memref_slice %arg4[%add3A, %scan3A_18, %dma_wait3A_38] : memref<32x125x80xi32, #tpu.memory_space<hbm>> -> memref<1x1x80xi32, #tpu.memory_space<hbm>>
        %dma_wait3A_40 = tpu.memref_squeeze %dma_wait3A_39 : memref<1x1x80xi32, #tpu.memory_space<hbm>> -> memref<80xi32, #tpu.memory_space<hbm>>
        %dma_wait3A_41 = arith.constant 0 : i32
        %dma_wait3A_42 = tpu.memref_slice %arg4[%add3A, %scan3A_18, %dma_wait3A_41] : memref<32x125x80xi32, #tpu.memory_space<hbm>> -> memref<1x1x80xi32, #tpu.memory_space<hbm>>
        %dma_wait3A_43 = tpu.memref_squeeze %dma_wait3A_42 : memref<1x1x80xi32, #tpu.memory_space<hbm>> -> memref<80xi32, #tpu.memory_space<hbm>>
        tpu.wait_dma2 semaphore(%run_scoped3A : memref<!tpu.dma_semaphore, #tpu.memory_space<semaphore_mem>>) src(%dma_wait3A_43 : memref<80xi32, #tpu.memory_space<hbm>>) dst(%arg10 : memref<80xi32, #tpu.memory_space<vmem>>)
        tpu.yield
      }) : () -> ()
      %dma_start3A = arith.constant 0 : i32
      %dma_start3A_22 = arith.constant 0 : i32
      %dma_start3A_23 = tpu.memref_slice %arg2[%dma_start3A, %dma_start3A_22] : memref<10000x128xf32, #tpu.memory_space<hbm>> -> memref<10000x128xf32, #tpu.memory_space<hbm>>
      tpu.enqueue_indirect_dma source(%dma_start3A_23 : memref<10000x128xf32, #tpu.memory_space<hbm>>) target(%arg11 : memref<80x128xf32, #tpu.memory_space<vmem>>) offsets(%arg9 : memref<80xi32, #tpu.memory_space<vmem>>) semaphore(%arg14 : memref<!tpu.dma_semaphore, #tpu.memory_space<semaphore_mem>>)
      "tpu.region"() ({
        %run_scoped3A = tpu.sem_alloc : memref<!tpu.dma_semaphore, #tpu.memory_space<semaphore_mem>>
        %dma_start3A_32 = arith.constant 0 : i32
        %dma_start3A_33 = tpu.memref_slice %arg5[%add3A_21, %dma_start3A_32] : memref<320000x128xf32, #tpu.memory_space<hbm>> -> memref<80x128xf32, #tpu.memory_space<hbm>>
        %dma_start3A_34 = arith.constant 0 : i32
        %dma_start3A_35 = tpu.memref_slice %arg5[%add3A_21, %dma_start3A_34] : memref<320000x128xf32, #tpu.memory_space<hbm>> -> memref<80x128xf32, #tpu.memory_space<hbm>>
        tpu.enqueue_dma source(%dma_start3A_35 : memref<80x128xf32, #tpu.memory_space<hbm>>) target(%arg12 : memref<80x128xf32, #tpu.memory_space<vmem>>) target_semaphore(%run_scoped3A : memref<!tpu.dma_semaphore, #tpu.memory_space<semaphore_mem>>)
        %dma_wait3A_36 = arith.constant 0 : i32
        %dma_wait3A_37 = tpu.memref_slice %arg5[%add3A_21, %dma_wait3A_36] : memref<320000x128xf32, #tpu.memory_space<hbm>> -> memref<80x128xf32, #tpu.memory_space<hbm>>
        %dma_wait3A_38 = arith.constant 0 : i32
        %dma_wait3A_39 = tpu.memref_slice %arg5[%add3A_21, %dma_wait3A_38] : memref<320000x128xf32, #tpu.memory_space<hbm>> -> memref<80x128xf32, #tpu.memory_space<hbm>>
        tpu.wait_dma2 semaphore(%run_scoped3A : memref<!tpu.dma_semaphore, #tpu.memory_space<semaphore_mem>>) src(%dma_wait3A_39 : memref<80x128xf32, #tpu.memory_space<hbm>>) dst(%arg12 : memref<80x128xf32, #tpu.memory_space<vmem>>)
        tpu.yield
      }) : () -> ()
      %dma_wait3A = arith.constant 0 : i32
      %dma_wait3A_24 = arith.constant 0 : i32
      %dma_wait3A_25 = tpu.memref_slice %arg2[%dma_wait3A, %dma_wait3A_24] : memref<10000x128xf32, #tpu.memory_space<hbm>> -> memref<10000x128xf32, #tpu.memory_space<hbm>>
      tpu.wait_indirect_dma semaphore(%arg14 : memref<!tpu.dma_semaphore, #tpu.memory_space<semaphore_mem>>) src(%dma_wait3A_25 : memref<10000x128xf32, #tpu.memory_space<hbm>>) dst(%arg11 : memref<80x128xf32, #tpu.memory_space<vmem>>)
      %scan3A_26 = arith.constant 0 : i32
      %scan3A_27 = arith.constant 0 : i32
      %scan3A_28 = arith.constant 80 : i32
      %scan3A_29 = arith.addi %scan3A_27, %scan3A_28 : i32
      %scan3A_30 = arith.constant 1 : i32
      scf.for %scan3A_32 = %scan3A_27 to %scan3A_29 step %scan3A_30  : i32 {
        %get3A = arith.index_cast %scan3A_32 : i32 to index
        %get3A_33 = arith.constant 0 : index
        %get3A_34 = tpu.vector_load %arg11[%get3A, %get3A_33] {strides = array<i32>} : memref<80x128xf32, #tpu.memory_space<vmem>>, vector<1x16xf32>,
        %get3A_35 = vector.shape_cast %get3A_34 : vector<1x16xf32> to vector<16xf32>
        %get3A_36 = arith.index_cast %scan3A_32 : i32 to index
        %get3A_37 = arith.constant 0 : index
        %get3A_38 = tpu.vector_load %arg12[%get3A_36, %get3A_37] {strides = array<i32>} : memref<80x128xf32, #tpu.memory_space<vmem>>, vector<1x16xf32>,
        %get3A_39 = vector.shape_cast %get3A_38 : vector<1x16xf32> to vector<16xf32>
        %mul3A_40 = arith.mulf %get3A_35, %get3A_39 : vector<16xf32>
        %swap3A = arith.index_cast %scan3A_32 : i32 to index
        %swap3A_41 = arith.constant 0 : index
        %swap3A_42 = tpu.vector_load %arg11[%swap3A, %swap3A_41] {strides = array<i32>} : memref<80x128xf32, #tpu.memory_space<vmem>>, vector<1x16xf32>,
        %swap3A_43 = vector.shape_cast %swap3A_42 : vector<1x16xf32> to vector<16xf32>
        %swap3A_44 = vector.shape_cast %mul3A_40 : vector<16xf32> to vector<1x16xf32>
        tpu.vector_store %arg11[%swap3A, %swap3A_41], %swap3A_44 {strides = array<i32>} : memref<80x128xf32, #tpu.memory_space<vmem>>, vector<1x16xf32>,
        %get3A_45 = arith.index_cast %scan3A_32 : i32 to index
        %get3A_46 = arith.constant 16 : index
        %get3A_47 = tpu.vector_load %arg11[%get3A_45, %get3A_46] {strides = array<i32>} : memref<80x128xf32, #tpu.memory_space<vmem>>, vector<1x16xf32>,
        %get3A_48 = vector.shape_cast %get3A_47 : vector<1x16xf32> to vector<16xf32>
        %get3A_49 = arith.index_cast %scan3A_32 : i32 to index
        %get3A_50 = arith.constant 16 : index
        %get3A_51 = tpu.vector_load %arg12[%get3A_49, %get3A_50] {strides = array<i32>} : memref<80x128xf32, #tpu.memory_space<vmem>>, vector<1x16xf32>,
        %get3A_52 = vector.shape_cast %get3A_51 : vector<1x16xf32> to vector<16xf32>
        %mul3A_53 = arith.mulf %get3A_48, %get3A_52 : vector<16xf32>
        %swap3A_54 = arith.index_cast %scan3A_32 : i32 to index
        %swap3A_55 = arith.constant 16 : index
        %swap3A_56 = tpu.vector_load %arg11[%swap3A_54, %swap3A_55] {strides = array<i32>} : memref<80x128xf32, #tpu.memory_space<vmem>>, vector<1x16xf32>,
        %swap3A_57 = vector.shape_cast %swap3A_56 : vector<1x16xf32> to vector<16xf32>
        %swap3A_58 = vector.shape_cast %mul3A_53 : vector<16xf32> to vector<1x16xf32>
        tpu.vector_store %arg11[%swap3A_54, %swap3A_55], %swap3A_58 {strides = array<i32>} : memref<80x128xf32, #tpu.memory_space<vmem>>, vector<1x16xf32>,
        %get3A_59 = arith.index_cast %scan3A_32 : i32 to index
        %get3A_60 = arith.constant 32 : index
        %get3A_61 = tpu.vector_load %arg11[%get3A_59, %get3A_60] {strides = array<i32>} : memref<80x128xf32, #tpu.memory_space<vmem>>, vector<1x16xf32>,
        %get3A_62 = vector.shape_cast %get3A_61 : vector<1x16xf32> to vector<16xf32>
        %get3A_63 = arith.index_cast %scan3A_32 : i32 to index
        %get3A_64 = arith.constant 32 : index
        %get3A_65 = tpu.vector_load %arg12[%get3A_63, %get3A_64] {strides = array<i32>} : memref<80x128xf32, #tpu.memory_space<vmem>>, vector<1x16xf32>,
        %get3A_66 = vector.shape_cast %get3A_65 : vector<1x16xf32> to vector<16xf32>
        %mul3A_67 = arith.mulf %get3A_62, %get3A_66 : vector<16xf32>
        %swap3A_68 = arith.index_cast %scan3A_32 : i32 to index
        %swap3A_69 = arith.constant 32 : index
        %swap3A_70 = tpu.vector_load %arg11[%swap3A_68, %swap3A_69] {strides = array<i32>} : memref<80x128xf32, #tpu.memory_space<vmem>>, vector<1x16xf32>,
        %swap3A_71 = vector.shape_cast %swap3A_70 : vector<1x16xf32> to vector<16xf32>
        %swap3A_72 = vector.shape_cast %mul3A_67 : vector<16xf32> to vector<1x16xf32>
        tpu.vector_store %arg11[%swap3A_68, %swap3A_69], %swap3A_72 {strides = array<i32>} : memref<80x128xf32, #tpu.memory_space<vmem>>, vector<1x16xf32>,
        %get3A_73 = arith.index_cast %scan3A_32 : i32 to index
        %get3A_74 = arith.constant 48 : index
        %get3A_75 = tpu.vector_load %arg11[%get3A_73, %get3A_74] {strides = array<i32>} : memref<80x128xf32, #tpu.memory_space<vmem>>, vector<1x16xf32>,
        %get3A_76 = vector.shape_cast %get3A_75 : vector<1x16xf32> to vector<16xf32>
        %get3A_77 = arith.index_cast %scan3A_32 : i32 to index
        %get3A_78 = arith.constant 48 : index
        %get3A_79 = tpu.vector_load %arg12[%get3A_77, %get3A_78] {strides = array<i32>} : memref<80x128xf32, #tpu.memory_space<vmem>>, vector<1x16xf32>,
        %get3A_80 = vector.shape_cast %get3A_79 : vector<1x16xf32> to vector<16xf32>
        %mul3A_81 = arith.mulf %get3A_76, %get3A_80 : vector<16xf32>
        %swap3A_82 = arith.index_cast %scan3A_32 : i32 to index
        %swap3A_83 = arith.constant 48 : index
        %swap3A_84 = tpu.vector_load %arg11[%swap3A_82, %swap3A_83] {strides = array<i32>} : memref<80x128xf32, #tpu.memory_space<vmem>>, vector<1x16xf32>,
        %swap3A_85 = vector.shape_cast %swap3A_84 : vector<1x16xf32> to vector<16xf32>
        %swap3A_86 = vector.shape_cast %mul3A_81 : vector<16xf32> to vector<1x16xf32>
        tpu.vector_store %arg11[%swap3A_82, %swap3A_83], %swap3A_86 {strides = array<i32>} : memref<80x128xf32, #tpu.memory_space<vmem>>, vector<1x16xf32>,
        %get3A_87 = arith.index_cast %scan3A_32 : i32 to index
        %get3A_88 = arith.constant 64 : index
        %get3A_89 = tpu.vector_load %arg11[%get3A_87, %get3A_88] {strides = array<i32>} : memref<80x128xf32, #tpu.memory_space<vmem>>, vector<1x16xf32>,
        %get3A_90 = vector.shape_cast %get3A_89 : vector<1x16xf32> to vector<16xf32>
        %get3A_91 = arith.index_cast %scan3A_32 : i32 to index
        %get3A_92 = arith.constant 64 : index
        %get3A_93 = tpu.vector_load %arg12[%get3A_91, %get3A_92] {strides = array<i32>} : memref<80x128xf32, #tpu.memory_space<vmem>>, vector<1x16xf32>,
        %get3A_94 = vector.shape_cast %get3A_93 : vector<1x16xf32> to vector<16xf32>
        %mul3A_95 = arith.mulf %get3A_90, %get3A_94 : vector<16xf32>
        %swap3A_96 = arith.index_cast %scan3A_32 : i32 to index
        %swap3A_97 = arith.constant 64 : index
        %swap3A_98 = tpu.vector_load %arg11[%swap3A_96, %swap3A_97] {strides = array<i32>} : memref<80x128xf32, #tpu.memory_space<vmem>>, vector<1x16xf32>,
        %swap3A_99 = vector.shape_cast %swap3A_98 : vector<1x16xf32> to vector<16xf32>
        %swap3A_100 = vector.shape_cast %mul3A_95 : vector<16xf32> to vector<1x16xf32>
        tpu.vector_store %arg11[%swap3A_96, %swap3A_97], %swap3A_100 {strides = array<i32>} : memref<80x128xf32, #tpu.memory_space<vmem>>, vector<1x16xf32>,
        %get3A_101 = arith.index_cast %scan3A_32 : i32 to index
        %get3A_102 = arith.constant 80 : index
        %get3A_103 = tpu.vector_load %arg11[%get3A_101, %get3A_102] {strides = array<i32>} : memref<80x128xf32, #tpu.memory_space<vmem>>, vector<1x16xf32>,
        %get3A_104 = vector.shape_cast %get3A_103 : vector<1x16xf32> to vector<16xf32>
        %get3A_105 = arith.index_cast %scan3A_32 : i32 to index
        %get3A_106 = arith.constant 80 : index
        %get3A_107 = tpu.vector_load %arg12[%get3A_105, %get3A_106] {strides = array<i32>} : memref<80x128xf32, #tpu.memory_space<vmem>>, vector<1x16xf32>,
        %get3A_108 = vector.shape_cast %get3A_107 : vector<1x16xf32> to vector<16xf32>
        %mul3A_109 = arith.mulf %get3A_104, %get3A_108 : vector<16xf32>
        %swap3A_110 = arith.index_cast %scan3A_32 : i32 to index
        %swap3A_111 = arith.constant 80 : index
        %swap3A_112 = tpu.vector_load %arg11[%swap3A_110, %swap3A_111] {strides = array<i32>} : memref<80x128xf32, #tpu.memory_space<vmem>>, vector<1x16xf32>,
        %swap3A_113 = vector.shape_cast %swap3A_112 : vector<1x16xf32> to vector<16xf32>
        %swap3A_114 = vector.shape_cast %mul3A_109 : vector<16xf32> to vector<1x16xf32>
        tpu.vector_store %arg11[%swap3A_110, %swap3A_111], %swap3A_114 {strides = array<i32>} : memref<80x128xf32, #tpu.memory_space<vmem>>, vector<1x16xf32>,
        %get3A_115 = arith.index_cast %scan3A_32 : i32 to index
        %get3A_116 = arith.constant 96 : index
        %get3A_117 = tpu.vector_load %arg11[%get3A_115, %get3A_116] {strides = array<i32>} : memref<80x128xf32, #tpu.memory_space<vmem>>, vector<1x16xf32>,
        %get3A_118 = vector.shape_cast %get3A_117 : vector<1x16xf32> to vector<16xf32>
        %get3A_119 = arith.index_cast %scan3A_32 : i32 to index
        %get3A_120 = arith.constant 96 : index
        %get3A_121 = tpu.vector_load %arg12[%get3A_119, %get3A_120] {strides = array<i32>} : memref<80x128xf32, #tpu.memory_space<vmem>>, vector<1x16xf32>,
        %get3A_122 = vector.shape_cast %get3A_121 : vector<1x16xf32> to vector<16xf32>
        %mul3A_123 = arith.mulf %get3A_118, %get3A_122 : vector<16xf32>
        %swap3A_124 = arith.index_cast %scan3A_32 : i32 to index
        %swap3A_125 = arith.constant 96 : index
        %swap3A_126 = tpu.vector_load %arg11[%swap3A_124, %swap3A_125] {strides = array<i32>} : memref<80x128xf32, #tpu.memory_space<vmem>>, vector<1x16xf32>,
        %swap3A_127 = vector.shape_cast %swap3A_126 : vector<1x16xf32> to vector<16xf32>
        %swap3A_128 = vector.shape_cast %mul3A_123 : vector<16xf32> to vector<1x16xf32>
        tpu.vector_store %arg11[%swap3A_124, %swap3A_125], %swap3A_128 {strides = array<i32>} : memref<80x128xf32, #tpu.memory_space<vmem>>, vector<1x16xf32>,
        %get3A_129 = arith.index_cast %scan3A_32 : i32 to index
        %get3A_130 = arith.constant 112 : index
        %get3A_131 = tpu.vector_load %arg11[%get3A_129, %get3A_130] {strides = array<i32>} : memref<80x128xf32, #tpu.memory_space<vmem>>, vector<1x16xf32>,
        %get3A_132 = vector.shape_cast %get3A_131 : vector<1x16xf32> to vector<16xf32>
        %get3A_133 = arith.index_cast %scan3A_32 : i32 to index
        %get3A_134 = arith.constant 112 : index
        %get3A_135 = tpu.vector_load %arg12[%get3A_133, %get3A_134] {strides = array<i32>} : memref<80x128xf32, #tpu.memory_space<vmem>>, vector<1x16xf32>,
        %get3A_136 = vector.shape_cast %get3A_135 : vector<1x16xf32> to vector<16xf32>
        %mul3A_137 = arith.mulf %get3A_132, %get3A_136 : vector<16xf32>
        %swap3A_138 = arith.index_cast %scan3A_32 : i32 to index
        %swap3A_139 = arith.constant 112 : index
        %swap3A_140 = tpu.vector_load %arg11[%swap3A_138, %swap3A_139] {strides = array<i32>} : memref<80x128xf32, #tpu.memory_space<vmem>>, vector<1x16xf32>,
        %swap3A_141 = vector.shape_cast %swap3A_140 : vector<1x16xf32> to vector<16xf32>
        %swap3A_142 = vector.shape_cast %mul3A_137 : vector<16xf32> to vector<1x16xf32>
        tpu.vector_store %arg11[%swap3A_138, %swap3A_139], %swap3A_142 {strides = array<i32>} : memref<80x128xf32, #tpu.memory_space<vmem>>, vector<1x16xf32>,
      }
      %scan3A_31 = arith.constant 80 : i32
      "tpu.region"() ({
        %run_scoped3A = tpu.sem_alloc : memref<!tpu.dma_semaphore, #tpu.memory_space<semaphore_mem>>
        %dma_start3A_32 = arith.constant 0 : i32
        %dma_start3A_33 = tpu.memref_slice %arg7[%add3A_21, %dma_start3A_32] : memref<320000x128xf32, #tpu.memory_space<hbm>> -> memref<80x128xf32, #tpu.memory_space<hbm>>
        %dma_start3A_34 = arith.constant 0 : i32
        %dma_start3A_35 = tpu.memref_slice %arg7[%add3A_21, %dma_start3A_34] : memref<320000x128xf32, #tpu.memory_space<hbm>> -> memref<80x128xf32, #tpu.memory_space<hbm>>
        tpu.enqueue_dma source(%arg11 : memref<80x128xf32, #tpu.memory_space<vmem>>) target(%dma_start3A_35 : memref<80x128xf32, #tpu.memory_space<hbm>>) target_semaphore(%run_scoped3A : memref<!tpu.dma_semaphore, #tpu.memory_space<semaphore_mem>>)
        %dma_wait3A_36 = arith.constant 0 : i32
        %dma_wait3A_37 = tpu.memref_slice %arg7[%add3A_21, %dma_wait3A_36] : memref<320000x128xf32, #tpu.memory_space<hbm>> -> memref<80x128xf32, #tpu.memory_space<hbm>>
        %dma_wait3A_38 = arith.constant 0 : i32
        %dma_wait3A_39 = tpu.memref_slice %arg7[%add3A_21, %dma_wait3A_38] : memref<320000x128xf32, #tpu.memory_space<hbm>> -> memref<80x128xf32, #tpu.memory_space<hbm>>
        tpu.wait_dma2 semaphore(%run_scoped3A : memref<!tpu.dma_semaphore, #tpu.memory_space<semaphore_mem>>) src(%arg11 : memref<80x128xf32, #tpu.memory_space<vmem>>) dst(%dma_wait3A_39 : memref<80x128xf32, #tpu.memory_space<hbm>>)
        tpu.yield
      }) : () -> ()
      "tpu.region"() ({
        %run_scoped3A = tpu.sem_alloc : memref<!tpu.dma_semaphore, #tpu.memory_space<semaphore_mem>>
        %dma_start3A_32 = arith.constant 0 : i32
        %dma_start3A_33 = arith.constant 0 : i32
        %dma_start3A_34 = tpu.memref_slice %arg13[%dma_start3A_32, %dma_start3A_33] : memref<10240x128xf32, #tpu.memory_space<vmem_shared>> -> memref<10240x128xf32, #tpu.memory_space<vmem_shared>>
        tpu.enqueue_indirect_dma source(%arg11 : memref<80x128xf32, #tpu.memory_space<vmem>>) target(%dma_start3A_34 : memref<10240x128xf32, #tpu.memory_space<vmem_shared>>) offsets(%arg10 : memref<80xi32, #tpu.memory_space<vmem>>) semaphore(%run_scoped3A : memref<!tpu.dma_semaphore, #tpu.memory_space<semaphore_mem>>) {add = true}
        %dma_wait3A_35 = arith.constant 0 : i32
        %dma_wait3A_36 = arith.constant 0 : i32
        %dma_wait3A_37 = tpu.memref_slice %arg13[%dma_wait3A_35, %dma_wait3A_36] : memref<10240x128xf32, #tpu.memory_space<vmem_shared>> -> memref<10240x128xf32, #tpu.memory_space<vmem_shared>>
        tpu.wait_indirect_dma semaphore(%run_scoped3A : memref<!tpu.dma_semaphore, #tpu.memory_space<semaphore_mem>>) src(%arg11 : memref<80x128xf32, #tpu.memory_space<vmem>>) dst(%dma_wait3A_37 : memref<10240x128xf32, #tpu.memory_space<vmem_shared>>)
        tpu.yield
      }) : () -> ()
    }
    %scan3A_9 = arith.constant 125 : i32
    %barrier3A_10 = arith.constant 0 : index
    tpu.barrier barrier_id(%barrier3A_10)
    %mul3A_11 = arith.constant 640 : i32
    %mul3A_12 = arith.muli %arg1, %mul3A_11 : i32
    %mul3A_13 = arith.constant 10240 : i32
    %mul3A_14 = arith.muli %arg0, %mul3A_13 : i32
    %mul3A_15 = arith.constant 640 : i32
    %mul3A_16 = arith.muli %arg1, %mul3A_15 : i32
    %add3A_17 = arith.addi %mul3A_14, %mul3A_16 : i32
    "tpu.region"() ({
      %run_scoped3A = tpu.sem_alloc : memref<!tpu.dma_semaphore, #tpu.memory_space<semaphore_mem>>
      %dma_start3A = arith.constant 0 : i32
      %dma_start3A_18 = tpu.memref_slice %arg8[%add3A_17, %dma_start3A] : memref<20480x128xf32, #tpu.memory_space<hbm>> -> memref<640x128xf32, #tpu.memory_space<hbm>>
      %dma_start3A_19 = arith.constant 0 : i32
      %dma_start3A_20 = tpu.memref_slice %arg13[%mul3A_12, %dma_start3A_19] : memref<10240x128xf32, #tpu.memory_space<vmem_shared>> -> memref<640x128xf32, #tpu.memory_space<vmem_shared>>
      tpu.enqueue_dma source(%dma_start3A_20 : memref<640x128xf32, #tpu.memory_space<vmem_shared>>) target(%dma_start3A_18 : memref<640x128xf32, #tpu.memory_space<hbm>>) target_semaphore(%run_scoped3A : memref<!tpu.dma_semaphore, #tpu.memory_space<semaphore_mem>>)
      %dma_wait3A = arith.constant 0 : i32
      %dma_wait3A_21 = tpu.memref_slice %arg8[%add3A_17, %dma_wait3A] : memref<20480x128xf32, #tpu.memory_space<hbm>> -> memref<640x128xf32, #tpu.memory_space<hbm>>
      %dma_wait3A_22 = arith.constant 0 : i32
      %dma_wait3A_23 = tpu.memref_slice %arg13[%mul3A_12, %dma_wait3A_22] : memref<10240x128xf32, #tpu.memory_space<vmem_shared>> -> memref<640x128xf32, #tpu.memory_space<vmem_shared>>
      tpu.wait_dma2 semaphore(%run_scoped3A : memref<!tpu.dma_semaphore, #tpu.memory_space<semaphore_mem>>) src(%dma_wait3A_23 : memref<640x128xf32, #tpu.memory_space<vmem_shared>>) dst(%dma_wait3A_21 : memref<640x128xf32, #tpu.memory_space<hbm>>)
      tpu.yield
    }) : () -> ()
    return
  }
}

module attributes {stable_mosaic.version = 14 : i64} {
  func.func @_h_body(%arg0: i32, %arg1: memref<2000x128xf32, #tpu.memory_space<vmem>>, %arg2: memref<128x128xf32, #tpu.memory_space<vmem>>, %arg3: memref<2000x128xf32, #tpu.memory_space<vmem>>) attributes {dimension_semantics = [#tpu.dimension_semantics<arbitrary>], iteration_bounds = array<i64: 5>, scalar_prefetch = 0 : i64, scratch_operands = 0 : i64, tpu.core_type = #tpu.core_type<tc>, window_params = [{transform_indices = @transform_0, window_bounds = array<i64: 2000, 128>}, {pipeline_mode = #tpu.pipeline_mode<synchronous>, transform_indices = @transform_1, window_bounds = array<i64: 128, 128>}, {transform_indices = @transform_2, window_bounds = array<i64: 2000, 128>}]} {
    %get3A = arith.constant 0 : index
    %get3A_0 = arith.constant 0 : index
    %get3A_1 = vector.load %arg1[%get3A, %get3A_0] : memref<2000x128xf32, #tpu.memory_space<vmem>>, vector<2000x128xf32>
    %get3A_2 = arith.constant 0 : index
    %get3A_3 = arith.constant 0 : index
    %get3A_4 = vector.load %arg2[%get3A_2, %get3A_3] : memref<128x128xf32, #tpu.memory_space<vmem>>, vector<128x128xf32>
    %dot_general3A = arith.constant dense<0.000000e+00> : vector<2000x128xf32>
    %dot_general3A_5 = tpu.matmul %get3A_1, %get3A_4, %dot_general3A {dimension_numbers = #tpu.dot_dimension_numbers<[1], [0], [0], [1], [0, 0, 1, 1], [], []>, transpose_lhs_hint = false} : vector<2000x128xf32>, vector<128x128xf32>, vector<2000x128xf32> -> vector<2000x128xf32>
    %swap3A = arith.constant 0 : index
    %swap3A_6 = arith.constant 0 : index
    %swap3A_7 = vector.load %arg3[%swap3A, %swap3A_6] : memref<2000x128xf32, #tpu.memory_space<vmem>>, vector<2000x128xf32>
    tpu.vector_store %arg3[%swap3A, %swap3A_6], %dot_general3A_5 {strides = array<i32>} : memref<2000x128xf32, #tpu.memory_space<vmem>>, vector<2000x128xf32>,
    return
  }
  func.func @transform_0(%arg0: i32) -> (i32, i32) {
    %c0_i32 = arith.constant 0 : i32
    %c0_i32_0 = arith.constant 0 : i32
    return %arg0, %c0_i32 : i32, i32
  }
  func.func @transform_1(%arg0: i32) -> (i32, i32) {
    %c0_i32 = arith.constant 0 : i32
    %c0_i32_0 = arith.constant 0 : i32
    %c0_i32_1 = arith.constant 0 : i32
    return %c0_i32, %c0_i32_0 : i32, i32
  }
  func.func @transform_2(%arg0: i32) -> (i32, i32) {
    %c0_i32 = arith.constant 0 : i32
    %c0_i32_0 = arith.constant 0 : i32
    return %arg0, %c0_i32 : i32, i32
  }
}

module attributes {stable_mosaic.version = 14 : i64} {
  func.func @_wf_body(%arg0: i32, %arg1: memref<2000x50xf32, #tpu.memory_space<vmem>>, %arg2: memref<2000x1xf32, #tpu.memory_space<vmem>>, %arg3: memref<50x128xf32, #tpu.memory_space<vmem>>, %arg4: memref<128xf32, #tpu.memory_space<vmem>>, %arg5: memref<128x128xf32, #tpu.memory_space<vmem>>, %arg6: memref<128xf32, #tpu.memory_space<vmem>>, %arg7: memref<2000x128xf32, #tpu.memory_space<vmem>>) attributes {dimension_semantics = [#tpu.dimension_semantics<arbitrary>], iteration_bounds = array<i64: 160>, scalar_prefetch = 0 : i64, scratch_operands = 0 : i64, tpu.core_type = #tpu.core_type<tc>, window_params = [{transform_indices = @transform_0, window_bounds = array<i64: 2000, 50>}, {transform_indices = @transform_1, window_bounds = array<i64: 2000, 1>}, {pipeline_mode = #tpu.pipeline_mode<synchronous>, transform_indices = @transform_2, window_bounds = array<i64: 50, 128>}, {pipeline_mode = #tpu.pipeline_mode<synchronous>, transform_indices = @transform_3, window_bounds = array<i64: 128>}, {pipeline_mode = #tpu.pipeline_mode<synchronous>, transform_indices = @transform_4, window_bounds = array<i64: 128, 128>}, {pipeline_mode = #tpu.pipeline_mode<synchronous>, transform_indices = @transform_5, window_bounds = array<i64: 128>}, {transform_indices = @transform_6, window_bounds = array<i64: 2000, 128>}]} {
    %get3A = arith.constant 0 : index
    %get3A_0 = arith.constant 0 : index
    %get3A_1 = vector.load %arg1[%get3A, %get3A_0] : memref<2000x50xf32, #tpu.memory_space<vmem>>, vector<2000x50xf32>
    %get3A_2 = arith.constant 0 : index
    %get3A_3 = arith.constant 0 : index
    %get3A_4 = vector.load %arg3[%get3A_2, %get3A_3] : memref<50x128xf32, #tpu.memory_space<vmem>>, vector<50x128xf32>
    %dot_general3A = arith.constant dense<0.000000e+00> : vector<2000x128xf32>
    %dot_general3A_5 = tpu.matmul %get3A_1, %get3A_4, %dot_general3A {dimension_numbers = #tpu.dot_dimension_numbers<[1], [0], [0], [1], [0, 0, 1, 1], [], []>, transpose_lhs_hint = false} : vector<2000x50xf32>, vector<50x128xf32>, vector<2000x128xf32> -> vector<2000x128xf32>
    %get3A_6 = arith.constant 0 : index
    %get3A_7 = vector.load %arg4[%get3A_6] : memref<128xf32, #tpu.memory_space<vmem>>, vector<128xf32>
    %broadcast_in_dim3A = vector.shape_cast %get3A_7 : vector<128xf32> to vector<1x128xf32>
    %add3A = vector.broadcast %broadcast_in_dim3A : vector<1x128xf32> to vector<2000x128xf32>
    %add3A_8 = arith.addf %dot_general3A_5, %add3A : vector<2000x128xf32>
    %max3A = arith.constant 0.000000e+00 : f32
    %max3A_9 = vector.broadcast %max3A : f32 to vector<2000x128xf32>
    %max3A_10 = arith.maximumf %add3A_8, %max3A_9 : vector<2000x128xf32>
    %abs3A = math.absf %add3A_8 : vector<2000x128xf32>
    %neg3A = arith.constant 0.000000e+00 : f32
    %neg3A_11 = vector.broadcast %neg3A : f32 to vector<2000x128xf32>
    %neg3A_12 = arith.subf %neg3A_11, %abs3A : vector<2000x128xf32>
    %exp3A = math.exp %neg3A_12 : vector<2000x128xf32>
    %log1p3A = math.log1p %exp3A : vector<2000x128xf32>
    %add3A_13 = arith.addf %max3A_10, %log1p3A : vector<2000x128xf32>
    %sub3A = arith.constant 0.693147182 : f32
    %sub3A_14 = vector.broadcast %sub3A : f32 to vector<2000x128xf32>
    %sub3A_15 = arith.subf %add3A_13, %sub3A_14 : vector<2000x128xf32>
    %get3A_16 = arith.constant 0 : index
    %get3A_17 = arith.constant 0 : index
    %get3A_18 = vector.load %arg5[%get3A_16, %get3A_17] : memref<128x128xf32, #tpu.memory_space<vmem>>, vector<128x128xf32>
    %dot_general3A_19 = arith.constant dense<0.000000e+00> : vector<2000x128xf32>
    %dot_general3A_20 = tpu.matmul %sub3A_15, %get3A_18, %dot_general3A_19 {dimension_numbers = #tpu.dot_dimension_numbers<[1], [0], [0], [1], [0, 0, 1, 1], [], []>, transpose_lhs_hint = false} : vector<2000x128xf32>, vector<128x128xf32>, vector<2000x128xf32> -> vector<2000x128xf32>
    %get3A_21 = arith.constant 0 : index
    %get3A_22 = vector.load %arg6[%get3A_21] : memref<128xf32, #tpu.memory_space<vmem>>, vector<128xf32>
    %broadcast_in_dim3A_23 = vector.shape_cast %get3A_22 : vector<128xf32> to vector<1x128xf32>
    %add3A_24 = vector.broadcast %broadcast_in_dim3A_23 : vector<1x128xf32> to vector<2000x128xf32>
    %add3A_25 = arith.addf %dot_general3A_20, %add3A_24 : vector<2000x128xf32>
    %get3A_26 = arith.constant 0 : index
    %get3A_27 = arith.constant 0 : index
    %get3A_28 = vector.load %arg2[%get3A_26, %get3A_27] : memref<2000x1xf32, #tpu.memory_space<vmem>>, vector<2000x1xf32>
    %mul3A = arith.constant 0.314159274 : f32
    %mul3A_29 = vector.broadcast %mul3A : f32 to vector<2000x1xf32>
    %mul3A_30 = arith.mulf %get3A_28, %mul3A_29 : vector<2000x1xf32>
    %cos3A = math.cos %mul3A_30 : vector<2000x1xf32>
    %add3A_31 = arith.constant 1.000000e+00 : f32
    %add3A_32 = vector.broadcast %add3A_31 : f32 to vector<2000x1xf32>
    %add3A_33 = arith.addf %cos3A, %add3A_32 : vector<2000x1xf32>
    %mul3A_34 = arith.constant 5.000000e-01 : f32
    %mul3A_35 = vector.broadcast %mul3A_34 : f32 to vector<2000x1xf32>
    %mul3A_36 = arith.mulf %mul3A_35, %add3A_33 : vector<2000x1xf32>
    %le3A = arith.constant 1.000000e+01 : f32
    %le3A_37 = vector.broadcast %le3A : f32 to vector<2000x1xf32>
    %le3A_38 = arith.cmpf ole, %get3A_28, %le3A_37 : vector<2000x1xf32>
    %convert_element_type3A = arith.extui %le3A_38 : vector<2000x1xi1> to vector<2000x1xi32>
    %convert_element_type3A_39 = arith.sitofp %convert_element_type3A : vector<2000x1xi32> to vector<2000x1xf32>
    %mul3A_40 = arith.mulf %mul3A_36, %convert_element_type3A_39 : vector<2000x1xf32>
    %ge3A = arith.constant 0.000000e+00 : f32
    %ge3A_41 = vector.broadcast %ge3A : f32 to vector<2000x1xf32>
    %ge3A_42 = arith.cmpf oge, %get3A_28, %ge3A_41 : vector<2000x1xf32>
    %convert_element_type3A_43 = arith.extui %ge3A_42 : vector<2000x1xi1> to vector<2000x1xi32>
    %convert_element_type3A_44 = arith.sitofp %convert_element_type3A_43 : vector<2000x1xi32> to vector<2000x1xf32>
    %mul3A_45 = arith.mulf %mul3A_40, %convert_element_type3A_44 : vector<2000x1xf32>
    %mul3A_46 = vector.broadcast %mul3A_45 : vector<2000x1xf32> to vector<2000x128xf32>
    %mul3A_47 = arith.mulf %add3A_25, %mul3A_46 : vector<2000x128xf32>
    %swap3A = arith.constant 0 : index
    %swap3A_48 = arith.constant 0 : index
    %swap3A_49 = vector.load %arg7[%swap3A, %swap3A_48] : memref<2000x128xf32, #tpu.memory_space<vmem>>, vector<2000x128xf32>
    tpu.vector_store %arg7[%swap3A, %swap3A_48], %mul3A_47 {strides = array<i32>} : memref<2000x128xf32, #tpu.memory_space<vmem>>, vector<2000x128xf32>,
    return
  }
  func.func @transform_0(%arg0: i32) -> (i32, i32) {
    %c0_i32 = arith.constant 0 : i32
    %c0_i32_0 = arith.constant 0 : i32
    return %arg0, %c0_i32 : i32, i32
  }
  func.func @transform_1(%arg0: i32) -> (i32, i32) {
    %c0_i32 = arith.constant 0 : i32
    %c0_i32_0 = arith.constant 0 : i32
    return %arg0, %c0_i32 : i32, i32
  }
  func.func @transform_2(%arg0: i32) -> (i32, i32) {
    %c0_i32 = arith.constant 0 : i32
    %c0_i32_0 = arith.constant 0 : i32
    %c0_i32_1 = arith.constant 0 : i32
    return %c0_i32, %c0_i32_0 : i32, i32
  }
  func.func @transform_3(%arg0: i32) -> i32 {
    %c0_i32 = arith.constant 0 : i32
    %c0_i32_0 = arith.constant 0 : i32
    return %c0_i32 : i32
  }
  func.func @transform_4(%arg0: i32) -> (i32, i32) {
    %c0_i32 = arith.constant 0 : i32
    %c0_i32_0 = arith.constant 0 : i32
    %c0_i32_1 = arith.constant 0 : i32
    return %c0_i32, %c0_i32_0 : i32, i32
  }
  func.func @transform_5(%arg0: i32) -> i32 {
    %c0_i32 = arith.constant 0 : i32
    %c0_i32_0 = arith.constant 0 : i32
    return %c0_i32 : i32
  }
  func.func @transform_6(%arg0: i32) -> (i32, i32) {
    %c0_i32 = arith.constant 0 : i32
    %c0_i32_0 = arith.constant 0 : i32
    return %arg0, %c0_i32 : i32, i32
  }
}

module attributes {stable_mosaic.version = 14 : i64} {
  func.func @_out_body(%arg0: i32, %arg1: memref<2000x128xf32, #tpu.memory_space<vmem>>, %arg2: memref<2000x128xf32, #tpu.memory_space<vmem>>, %arg3: memref<2000x128xf32, #tpu.memory_space<vmem>>, %arg4: memref<128x128xf32, #tpu.memory_space<vmem>>, %arg5: memref<128xf32, #tpu.memory_space<vmem>>, %arg6: memref<128x128xf32, #tpu.memory_space<vmem>>, %arg7: memref<128x128xf32, #tpu.memory_space<vmem>>, %arg8: memref<128xf32, #tpu.memory_space<vmem>>, %arg9: memref<2000x128xf32, #tpu.memory_space<vmem>>) attributes {dimension_semantics = [#tpu.dimension_semantics<arbitrary>], iteration_bounds = array<i64: 5>, scalar_prefetch = 0 : i64, scratch_operands = 0 : i64, tpu.core_type = #tpu.core_type<tc>, window_params = [{transform_indices = @transform_0, window_bounds = array<i64: 2000, 128>}, {transform_indices = @transform_1, window_bounds = array<i64: 2000, 128>}, {transform_indices = @transform_2, window_bounds = array<i64: 2000, 128>}, {pipeline_mode = #tpu.pipeline_mode<synchronous>, transform_indices = @transform_3, window_bounds = array<i64: 128, 128>}, {pipeline_mode = #tpu.pipeline_mode<synchronous>, transform_indices = @transform_4, window_bounds = array<i64: 128>}, {pipeline_mode = #tpu.pipeline_mode<synchronous>, transform_indices = @transform_5, window_bounds = array<i64: 128, 128>}, {pipeline_mode = #tpu.pipeline_mode<synchronous>, transform_indices = @transform_6, window_bounds = array<i64: 128, 128>}, {pipeline_mode = #tpu.pipeline_mode<synchronous>, transform_indices = @transform_7, window_bounds = array<i64: 128>}, {transform_indices = @transform_8, window_bounds = array<i64: 2000, 128>}]} {
    %get3A = arith.constant 0 : index
    %get3A_0 = arith.constant 0 : index
    %get3A_1 = vector.load %arg2[%get3A, %get3A_0] : memref<2000x128xf32, #tpu.memory_space<vmem>>, vector<2000x128xf32>
    %get3A_2 = arith.constant 0 : index
    %get3A_3 = arith.constant 0 : index
    %get3A_4 = vector.load %arg3[%get3A_2, %get3A_3] : memref<2000x128xf32, #tpu.memory_space<vmem>>, vector<2000x128xf32>
    %add3A = arith.addf %get3A_1, %get3A_4 : vector<2000x128xf32>
    %get3A_5 = arith.constant 0 : index
    %get3A_6 = arith.constant 0 : index
    %get3A_7 = vector.load %arg4[%get3A_5, %get3A_6] : memref<128x128xf32, #tpu.memory_space<vmem>>, vector<128x128xf32>
    %dot_general3A = arith.constant dense<0.000000e+00> : vector<2000x128xf32>
    %dot_general3A_8 = tpu.matmul %add3A, %get3A_7, %dot_general3A {dimension_numbers = #tpu.dot_dimension_numbers<[1], [0], [0], [1], [0, 0, 1, 1], [], []>, transpose_lhs_hint = false} : vector<2000x128xf32>, vector<128x128xf32>, vector<2000x128xf32> -> vector<2000x128xf32>
    %get3A_9 = arith.constant 0 : index
    %get3A_10 = vector.load %arg5[%get3A_9] : memref<128xf32, #tpu.memory_space<vmem>>, vector<128xf32>
    %broadcast_in_dim3A = vector.shape_cast %get3A_10 : vector<128xf32> to vector<1x128xf32>
    %add3A_11 = vector.broadcast %broadcast_in_dim3A : vector<1x128xf32> to vector<2000x128xf32>
    %add3A_12 = arith.addf %dot_general3A_8, %add3A_11 : vector<2000x128xf32>
    %max3A = arith.constant 0.000000e+00 : f32
    %max3A_13 = vector.broadcast %max3A : f32 to vector<2000x128xf32>
    %max3A_14 = arith.maximumf %add3A_12, %max3A_13 : vector<2000x128xf32>
    %abs3A = math.absf %add3A_12 : vector<2000x128xf32>
    %neg3A = arith.constant 0.000000e+00 : f32
    %neg3A_15 = vector.broadcast %neg3A : f32 to vector<2000x128xf32>
    %neg3A_16 = arith.subf %neg3A_15, %abs3A : vector<2000x128xf32>
    %exp3A = math.exp %neg3A_16 : vector<2000x128xf32>
    %log1p3A = math.log1p %exp3A : vector<2000x128xf32>
    %add3A_17 = arith.addf %max3A_14, %log1p3A : vector<2000x128xf32>
    %sub3A = arith.constant 0.693147182 : f32
    %sub3A_18 = vector.broadcast %sub3A : f32 to vector<2000x128xf32>
    %sub3A_19 = arith.subf %add3A_17, %sub3A_18 : vector<2000x128xf32>
    %get3A_20 = arith.constant 0 : index
    %get3A_21 = arith.constant 0 : index
    %get3A_22 = vector.load %arg1[%get3A_20, %get3A_21] : memref<2000x128xf32, #tpu.memory_space<vmem>>, vector<2000x128xf32>
    %get3A_23 = arith.constant 0 : index
    %get3A_24 = arith.constant 0 : index
    %get3A_25 = vector.load %arg6[%get3A_23, %get3A_24] : memref<128x128xf32, #tpu.memory_space<vmem>>, vector<128x128xf32>
    %dot_general3A_26 = arith.constant dense<0.000000e+00> : vector<2000x128xf32>
    %dot_general3A_27 = tpu.matmul %get3A_22, %get3A_25, %dot_general3A_26 {dimension_numbers = #tpu.dot_dimension_numbers<[1], [0], [0], [1], [0, 0, 1, 1], [], []>, transpose_lhs_hint = false} : vector<2000x128xf32>, vector<128x128xf32>, vector<2000x128xf32> -> vector<2000x128xf32>
    %get3A_28 = arith.constant 0 : index
    %get3A_29 = arith.constant 0 : index
    %get3A_30 = vector.load %arg7[%get3A_28, %get3A_29] : memref<128x128xf32, #tpu.memory_space<vmem>>, vector<128x128xf32>
    %dot_general3A_31 = arith.constant dense<0.000000e+00> : vector<2000x128xf32>
    %dot_general3A_32 = tpu.matmul %sub3A_19, %get3A_30, %dot_general3A_31 {dimension_numbers = #tpu.dot_dimension_numbers<[1], [0], [0], [1], [0, 0, 1, 1], [], []>, transpose_lhs_hint = false} : vector<2000x128xf32>, vector<128x128xf32>, vector<2000x128xf32> -> vector<2000x128xf32>
    %add3A_33 = arith.addf %dot_general3A_27, %dot_general3A_32 : vector<2000x128xf32>
    %get3A_34 = arith.constant 0 : index
    %get3A_35 = vector.load %arg8[%get3A_34] : memref<128xf32, #tpu.memory_space<vmem>>, vector<128xf32>
    %broadcast_in_dim3A_36 = vector.shape_cast %get3A_35 : vector<128xf32> to vector<1x128xf32>
    %add3A_37 = vector.broadcast %broadcast_in_dim3A_36 : vector<1x128xf32> to vector<2000x128xf32>
    %add3A_38 = arith.addf %add3A_33, %add3A_37 : vector<2000x128xf32>
    %swap3A = arith.constant 0 : index
    %swap3A_39 = arith.constant 0 : index
    %swap3A_40 = vector.load %arg9[%swap3A, %swap3A_39] : memref<2000x128xf32, #tpu.memory_space<vmem>>, vector<2000x128xf32>
    tpu.vector_store %arg9[%swap3A, %swap3A_39], %add3A_38 {strides = array<i32>} : memref<2000x128xf32, #tpu.memory_space<vmem>>, vector<2000x128xf32>,
    return
  }
  func.func @transform_0(%arg0: i32) -> (i32, i32) {
    %c0_i32 = arith.constant 0 : i32
    %c0_i32_0 = arith.constant 0 : i32
    return %arg0, %c0_i32 : i32, i32
  }
  func.func @transform_1(%arg0: i32) -> (i32, i32) {
    %c0_i32 = arith.constant 0 : i32
    %c0_i32_0 = arith.constant 0 : i32
    return %arg0, %c0_i32 : i32, i32
  }
  func.func @transform_2(%arg0: i32) -> (i32, i32) {
    %c0_i32 = arith.constant 0 : i32
    %c0_i32_0 = arith.constant 0 : i32
    return %arg0, %c0_i32 : i32, i32
  }
  func.func @transform_3(%arg0: i32) -> (i32, i32) {
    %c0_i32 = arith.constant 0 : i32
    %c0_i32_0 = arith.constant 0 : i32
    %c0_i32_1 = arith.constant 0 : i32
    return %c0_i32, %c0_i32_0 : i32, i32
  }
  func.func @transform_4(%arg0: i32) -> i32 {
    %c0_i32 = arith.constant 0 : i32
    %c0_i32_0 = arith.constant 0 : i32
    return %c0_i32 : i32
  }
  func.func @transform_5(%arg0: i32) -> (i32, i32) {
    %c0_i32 = arith.constant 0 : i32
    %c0_i32_0 = arith.constant 0 : i32
    %c0_i32_1 = arith.constant 0 : i32
    return %c0_i32, %c0_i32_0 : i32, i32
  }
  func.func @transform_6(%arg0: i32) -> (i32, i32) {
    %c0_i32 = arith.constant 0 : i32
    %c0_i32_0 = arith.constant 0 : i32
    %c0_i32_1 = arith.constant 0 : i32
    return %c0_i32, %c0_i32_0 : i32, i32
  }
  func.func @transform_7(%arg0: i32) -> i32 {
    %c0_i32 = arith.constant 0 : i32
    %c0_i32_0 = arith.constant 0 : i32
    return %c0_i32 : i32
  }
  func.func @transform_8(%arg0: i32) -> (i32, i32) {
    %c0_i32 = arith.constant 0 : i32
    %c0_i32_0 = arith.constant 0 : i32
    return %arg0, %c0_i32 : i32, i32
  }
}

</mosaic_0001>

<sc_bundles>
// kernel: kernel.6.cloned.1.call-start
scs
__scs_entry_jumppad:
0x0: {  	(pc) =	sbr.rel $0x88, $3  }
0x1: {  	(tag) =	ssettag $0x0;
	lr =	simm.s32 $0x1  }
0x2: {  	[smem:$0x3F94] =	sst lr;
	_ =	strace $0xD0000000  }
0x3: {  	_ = 	snop  }
0x4: {  	_ = 	snop  }
0x5: {  	_ = 	snop  }
0x6: {  	_ = 	snop  }
0x7: {  	_ = 	snop  }
__scs_overlays_trampoline_lowered:
0x8: {  	[smem:$0x3FA3] =	sst s0  }
0x9: {  	[smem:$0x3FA4] =	sst s1  }
0xa: {  	[smem:$0x3FA5] =	sst s2  }
0xb: {  	[smem:$0x3FA6] =	sst s3  }
0xc: {  	[smem:$0x3FA7] =	sst s4  }
0xd: {  	[smem:$0x3FA8] =	sst s5  }
0xe: {  	[smem:$0x3FA9] =	sst s6  }
0xf: {  	[smem:$0x3FAA] =	sst s7  }
0x10: {  	[smem:$0x3FAB] =	sst s8  }
0x11: {  	[smem:$0x3FAC] =	sst s9;
	s0 =	simm.s32 @!p0 $0x0  }
0x12: {  	s1 =	sld [smem:$0x3F92];
	s0 =	simm.s32 @p0 $0x1  }
0x13: {  	[smem:$0x3FAD] =	sst s0;
	s0 =	simm.s32 @!p1 $0x0  }
0x14: {  	s2 =	sld [smem:$0x3F91];
	s0 =	simm.s32 @p1 $0x1  }
0x15: {  	[smem:$0x3FAE] =	sst s0;
	s0 =	simm.s32 @!p2 $0x0  }
0x16: {  	s3 =	sld [smem:$0x3FDB];
	s0 =	simm.s32 @p2 $0x1  }
0x17: {  	s4 =	simm.s32 $0x1BF5;
	[smem:$0x3FB0] =	sst s0  }
0x18: {  	s0 =	sld [smem:$0x3F93];
	_ =	swait.ge [sflag:s4], $0x0  }
0x19: {  	s7 =	sld [smem:$0x3F94]  }
0x1a: {  	s8 =	sadd.s32 $0xFFFFE003, lr  }
0x1b: {  	s9 =	sadd.s32 $0xFFFFFEF7, lr;
	s5 =	simm.s32 $0xFFFFFFFF;
	p2 =	slt.u32 s8, $0xFFFFF086  }
0x1c: {  	p1 =	slt.u32 s9, $0xF7A;
	s5 =	simm.s32 @!p2 $0x0  }
0x1d: {  	s5 =	simm.s32 @p1 $0x1;
	p0 =	seq.s32 s7, s2  }
0x1e: {  	s7 =	smul.u32 @!p0 $0xF7A, s2;
	p2 =	seq.s32 @!p0 s5, $0x0  }
0x1f: {  	s9 =	smul.u32 $0xF7A, s1;
	s8 =	simm.s32 @!p0 $0x1BF5;
	p2 =	por !p2, p0  }
0x20: {  	[sflag:s8] =	ssyncset.s32 @!p0 $0xFFFFF086;
	s6 =	sadd.s32 @!p0 s3, s7;
	s7 =	simm.s32 @!p0 $0x108  }
0x21: {  	s3 =	sadd.s32 s3, s9;
	s6 =	sadd.s32 @!p0 $0x88, s6;
	s7 =	simm.s32 @p2 $0x1082  }
0x22: {  	[simem:s7], [sflag:s8] =	dma.local @!p0 [hbm:s6], $0xF7A  }
0x23: {  	s9 =	sor.u32 $0xD0000000, s2;
	s6 =	simm.s32 $0x108;
	_ =	swait.ge @!p0 [sflag:s8], $0x0  }
0x24: {  	s3 =	sadd.s32 $0x88, s3;
	s6 =	simm.s32 @!p1 $0x1082;
	[sflag:s4] =	ssyncset.s32 $0xFFFFF086  }
0x25: {  	[simem:s6], [sflag:s4] =	dma.local [hbm:s3], $0xF7A  }
0x26: {  	[smem:$0x3F94] =	sst s1;
	(tag) =	ssettag s2;
	_ =	strace s9  }
0x27: {  	s1 =	sld [smem:$0x3FA4]  }
0x28: {  	s2 =	sld [smem:$0x3FA5]  }
0x29: {  	s4 =	sld [smem:$0x3FA7]  }
0x2a: {  	p0 =	seq.s32 s5, $0x0;
	s5 =	sld [smem:$0x3FA8]  }
0x2b: {  	s6 =	sld [smem:$0x3FA9]  }
0x2c: {  	s7 =	sld [smem:$0x3FAA]  }
0x2d: {  	s3 =	simm.s32 $0x108;
	s8 =	sld [smem:$0x3FAB]  }
0x2e: {  	s3 =	simm.s32 @!p0 $0x1082;
	s9 =	sld [smem:$0x3FAC]  }
0x2f: {  	lr =	sadd.s32 s0, s3;
	s0 =	sld [smem:$0x3FA3]  }
0x30: {  	s3 =	sld [smem:$0x3FA6]  }
0x31: {  	[smem:$0x3FAF] =	sst s10  }
0x32: {  	s10 =	sld [smem:$0x3FAD];
	_ =	sdelay $0x3  }
0x33: {  	p0 =	seq.s32 s10, $0x1;
	s10 =	sld [smem:$0x3FAF];
	_ =	sdelay $0x3  }
0x34: {  	[smem:$0x3FAF] =	sst s10  }
0x35: {  	s10 =	sld [smem:$0x3FAE];
	_ =	sdelay $0x3  }
0x36: {  	p1 =	seq.s32 s10, $0x1;
	s10 =	sld [smem:$0x3FAF];
	_ =	sdelay $0x3  }
0x37: {  	[smem:$0x3FAF] =	sst s10  }
0x38: {  	s10 =	sld [smem:$0x3FB0]  }
0x39: {  	_ = 	snop;
	(pc) =	sbr.ind lr, $3  }
0x3a: {  	_ = 	snop  }
0x3b: {  	_ = 	snop  }
0x3c: {  	p2 =	seq.s32 s10, $0x1;
	s10 =	sld [smem:$0x3FAF]  }
0x3d: {  	_ =	shalt  }
0x3e: {  	_ =	shalt  }
0x3f: {  	_ =	shalt  }
0x40: {  	_ =	shalt  }
0x41: {  	_ =	shalt  }
0x42: {  	_ =	shalt  }
0x43: {  	_ =	shalt  }
0x44: {  	_ =	shalt  }
0x45: {  	_ =	shalt  }
0x46: {  	_ =	shalt  }
0x47: {  	_ =	shalt  }
0x48: {  	_ =	shalt  }
0x49: {  	_ =	shalt  }
0x4a: {  	_ =	shalt  }
0x4b: {  	_ =	shalt  }
0x4c: {  	_ =	shalt  }
0x4d: {  	_ =	shalt  }
0x4e: {  	_ =	shalt  }
0x4f: {  	_ =	shalt  }
0x50: {  	_ =	shalt  }
0x51: {  	_ =	shalt  }
0x52: {  	_ =	shalt  }
0x53: {  	_ =	shalt  }
0x54: {  	_ =	shalt  }
0x55: {  	_ =	shalt  }
0x56: {  	_ =	shalt  }
0x57: {  	_ =	shalt  }
0x58: {  	_ =	shalt  }
0x59: {  	_ =	shalt  }
0x5a: {  	_ =	shalt  }
0x5b: {  	_ =	shalt  }
0x5c: {  	_ =	shalt  }
0x5d: {  	_ =	shalt  }
0x5e: {  	_ =	shalt  }
0x5f: {  	_ =	shalt  }
0x60: {  	_ =	shalt  }
0x61: {  	_ =	shalt  }
0x62: {  	_ =	shalt  }
0x63: {  	_ =	shalt  }
0x64: {  	_ =	shalt  }
0x65: {  	_ =	shalt  }
0x66: {  	_ =	shalt  }
0x67: {  	_ =	shalt  }
0x68: {  	_ =	shalt  }
0x69: {  	_ =	shalt  }
0x6a: {  	_ =	shalt  }
0x6b: {  	_ =	shalt  }
0x6c: {  	_ =	shalt  }
0x6d: {  	_ =	shalt  }
0x6e: {  	_ =	shalt  }
0x6f: {  	_ =	shalt  }
0x70: {  	_ =	shalt  }
0x71: {  	_ =	shalt  }
0x72: {  	_ =	shalt  }
0x73: {  	_ =	shalt  }
0x74: {  	_ =	shalt  }
0x75: {  	_ =	shalt  }
0x76: {  	_ =	shalt  }
0x77: {  	_ =	shalt  }
0x78: {  	_ =	shalt  }
0x79: {  	_ =	shalt  }
0x7a: {  	_ =	shalt  }
0x7b: {  	_ =	shalt  }
0x7c: {  	_ =	shalt  }
0x7d: {  	_ =	shalt  }
0x7e: {  	_ =	shalt  }
0x7f: {  	_ =	shalt  }
0x80: {  	_ =	shalt  }
0x81: {  	_ =	shalt  }
0x82: {  	_ =	shalt  }
0x83: {  	_ =	shalt  }
0x84: {  	_ =	shalt  }
0x85: {  	_ =	shalt  }
0x86: {  	_ =	shalt  }
0x87: {  	_ =	shalt  }
.Lfunc_end0:
.L_simem_size_0:
called_computation_lowered:
.L_overlay_start_0:
0x88: {  	s2 =	sld [smem:$0x3FD9]  }
0x89: {  	s3 =	sld [smem:$0x3FFE];
	_ =	sdelay $0x1  }
0x8a: {  	s1 =	srdreg.scid  }
0x8b: {  	s0 =	sand.u32 $0x1, s1  }
0x8c: {  	s14 =	sshll.u32 s0, $0xA;
	s2 =	sadd.s32 s3, s2  }
0x8d: {  	s2 =	sadd.s32 s2, s14  }
0x8e: {  	[smem:$0x3FBB] =	sst s2  }
0x8f: {  	_ = 	snop  }
0x90: {  	s2 =	sld [smem:$0x3FD0];
	_ =	sdelay $0x2  }
0x91: {  	s15 =	simm.s32 $0xA;
	s4 =	simm.s32 $0x10  }
0x92: {  	[smem:s4], [sflag:s15] =	dma.local [hbm:s2], $0x1  }
0x93: {  	_ =	swait.eq [sflag:s15], $0x1  }
0x94: {  	[sflag:s15] =	ssyncset.done $0x0  }
0x95: {  	s16 =	sld [smem:$0x10];
	[sflag:s15] =	ssyncadd.s32 $0xFFFFFFFF  }
0x96: {  	s17 =	sld [smem:$0x11];
	(tm) =	ssettm $0x1  }
0x97: {  	s18 =	sld [smem:$0x3FFB];
	_ =	sdelay $0x3  }
0x98: {  	_ =	strace s18  }
0x99: {  	s4 =	sld [smem:$0x3FFC];
	_ =	sdelay $0x3  }
0x9a: {  	_ =	strace s4  }
0x9b: {  	s4 =	sld [smem:$0x3FFD];
	_ =	sdelay $0x3  }
0x9c: {  	_ =	strace s4  }
0x9d: {  	_ =	strace $0x8FFFFFFF  }
0x9e: {  	s19 =	sld [smem:$0x3FDB];
	_ =	sdelay $0x1  }
0x9f: {  	s5 =	simm.s32 $_scs_section_size  }
0xa0: {  	s6 =	simm.s32 $_size__tile_overlayer_lowered;
	s7 =	simm.s32 $_tile_overlayer_lowered  }
0xa1: {  	s22 =	simm.s32 $0x1BFF;
	s21 =	sshll.u32 s7, $0x1;
	s4 =	sadd.s32 s5, s19  }
0xa2: {  	s8 =	simm.s32 $0x0;
	s20 =	sshll.u32 s6, $0x1;
	s6 =	sadd.s32 s21, s4  }
0xa3: {  	[timem:s8], [sflag:s22] =	dma.local [hbm:s6], s20  }
0xa4: {  	_ =	swait.ge [sflag:s22], s20  }
0xa5: {  	s5 =	ssub.s32 $0x0, s20;
	[sflag:s22] =	ssyncset.done $0x0  }
0xa6: {  	[sflag:s22] =	ssyncadd.s32 s5;
	_ =	sdelay $0x1  }
0xa7: {  	s23 =	simm.s32 $0x1B8B  }
0xa8: {  	_ =	swait.ge [sflag:s23], $0x1  }
0xa9: {  	[sflag:s23] =	ssyncset.done $0x0  }
0xaa: {  	s25 =	simm.s32 $0x1B8E;
	s24 =	sld [smem:$0x3FFE];
	[sflag:s23] =	ssyncadd.s32 $0xFFFFFFFF  }
0xab: {  	s26 =	simm.s32 $execute0_lowered;
	[smem:$0x3FD2] =	sst s25  }
0xac: {  	s6 =	sshll.u32 s26, $0x1;
	_ =	strace $0x80000046;
	[dreg:$0x1] =	wrdreg $0xFFFFFFFF  }
0xad: {  	s28 =	simm.s32 $_size_execute0_lowered;
	s4 =	sadd.s32 s4, s6;
	[dreg:$0x0] =	wrdreg $0x0  }
0xae: {  	s6 =	sshll.u32 s28, $0x1;
	[dreg:$0x2] =	wrdreg s4  }
0xaf: {  	[dreg:$0x3] =	wrdreg s6  }
0xb0: {  	[dreg:$0x4] =	wrdreg $0xC0  }
0xb1: {  	_ =	task [dreg:s8], $0x5FFFF  }
0xb2: {  	[dreg:$0x1] =	wrdreg $0xFFFFFFFF  }
0xb3: {  	[dreg:$0x0] =	wrdreg $0x60  }
0xb4: {  	[dreg:$0x2] =	wrdreg s16  }
0xb5: {  	[dreg:$0x3] =	wrdreg s24  }
0xb6: {  	[dreg:$0x4] =	wrdreg s17  }
0xb7: {  	[dreg:$0x5] =	wrdreg $0x51000  }
0xb8: {  	[dreg:$0x6] =	wrdreg $0x9  }
0xb9: {  	_ =	task.clear_ibuf [dreg:s8], $0x7FFFF;
	_ =	strace $0x90000046  }
0xba: {  	s29 =	simm.s32 $0x9;
	_ =	strace $0x80000048  }
0xbb: {  	_ =	swait.ge [sflag:s29], $0x1  }
0xbc: {  	[sflag:s29] =	ssyncadd.s32 $0xFFFFFFFF  }
0xbd: {  	_ =	strace $0x90000048  }
0xbe: {  	_ =	sfence  }
0xbf: {  	s30 =	sld [smem:$0x0];
	_ =	sdelay $0x2  }
0xc0: {  	s31 =	sshll.u32 s1, $0xD;
	s1 =	sshrl.u32 s1, $0x2  }
0xc1: {  	s3 =	sand.u32 $0x4000, s31;
	s1 =	sadd.s32 s1, s30  }
0xc2: {  	s0 =	sor.u32 s3, s0;
	s1 =	sshll.u32 s1, $0x11  }
0xc3: {  	s0 =	sor.u32 s1, s0  }
0xc4: {  	s0 =	sadd.s32 $0x8F2B, s0  }
0xc5: {  	[sflag:s0] =	ssyncadd.remote.s32 $0x1  }
0xc6: {  	_ =	sfence.sel $0xFFFF  }
0xc7: {  	[dreg:$0x0] =	wrdreg $0xFFFFFFFF;
	(pc) =	sbr.abs _section_cstart, $3  }
0xc8: {  	[dreg:$0x1] =	wrdreg $0xFFFFFFFF  }
0xc9: {  	_ =	task.clear_ibuf [dreg:s8], $0x2FFFF;
	_ =	strace $0x9FFFFFFF  }
0xca: {  	(tm) =	ssettm $0x7FFFFFFF  }
0xcb: {  	_ =	shalt  }
tec
execute0_lowered:
.L_overlay_start_1:
0x0: {  	(tag) =	ssettag $0x1  }
0x1: {  	s1 =	rddreg [dreg:$0x0]  }
0x2: {  	s10 =	rddreg [dreg:$0x1]  }
0x3: {  	s2 =	rddreg [dreg:$0x2]  }
0x4: {  	s4 =	rddreg [dreg:$0x3]  }
0x5: {  	s0 =	rddreg [dreg:$0x4]  }
0x6: {  	s5 =	simm.s32 $0x0;
	s6 =	srdreg.scid;
	s3 =	stileid.u32  }
0x7: {  	s18 =	simm.s32 $0x50;
	s19 =	simm.s32 $0x100;
	s20 =	simm.s32 $0x2900  }
0x8: {  	s21 =	simm.s32 $0x1;
	s22 =	simm.s32 $0x0;
	[smem:$0x7FF] =	sst s5  }
0x9: {  	s11 =	sand.u32 $0x1, s6;
	s9 =	smul.u32 $0x2800, s3;
	s6 =	sadd.s32 $0x2A00, s10  }
0xa: {  	s7 =	sadd.s32 $0x12A00, s10;
	s8 =	sadd.s32 $0x504A00, s10;
	s15 =	smul.u32 $0x50000, s3  }
0xb: {  	s28 =	sshll.u32 s3, $0x1;
	s30 =	sshll.u32 s3, $0x6;
	_ =	strace $0x80000047  }
0xc: {  	s12 =	smul.u32 $0x28000, s11;
	s13 =	ssub.s32 $0x2, s11;
	s31 =	sor.u32 s11, s28  }
0xd: {  	s14 =	sshrl.u32 s13, $0x1;
	s29 =	sshrl.u32 s15, $0x2;
	s11 =	smul.u32 $0x2710, s31  }
0xe: {  	s12 =	sadd.s32 s9, s12;
	s9 =	sadd.s32 $0x22A00, s10;
	s14 =	ssub.s32 s13, s14  }
0xf: {  	s17 =	sadd.s32 s29, s4;
	s16 =	sadd.s32 s12, s10;
	s10 =	sor.u32 $0x1C02, s30  }
0x10: {  	s12 =	sshll.u32 s31, $0xB;
	s14 =	smax.u32 s14, $0x1;
	s15 =	sshrl.u32 s17, $0x3  }
0x11: {  	s17 =	simm.s32 $0x80;
	s13 =	sadd.s32 $0x25200, s16;
	s16 =	simm.s32 $0x2  }
.LBB2_1:
0x12: {  	[spmem:s15], [sflag:s10] =	dma.local [hbm:s9], $0x2800  }
0x13: {  	_ =	swait.ge [sflag:s16], $0x2800  }
0x14: {  	[sflag:s16] =	ssyncset.done $0x0  }
0x15: {  	[sflag:s16] =	ssyncadd.s32 $0xFFFFD800  }
0x16: {  	s23 =	simm.s32 $0x0;
	[bflag:$0x0] =	sbarrier.arrive $0xFFFF  }
.LBB2_2:
0x17: {  	s24 =	sshll.u32 s23, $0x4  }
0x18: {  	s24 =	sadd.s32 s12, s24  }
0x19: {  	s26 =	simm.s32 $0x0;
	s25 =	sadd.s32 s6, s24  }
0x1a: {  	[tilespmem:s26], [sflag:$0x2] =	stream.linear.gather [hbm4b:s25+s26], $0x80, $0x38;
	[tilespmem:$0x19100] =	vst v63  }
0x1b: {  	_ =	swait.ge [sflag:s16], $0x80  }
0x1c: {  	[sflag:s16] =	ssyncset.done $0x0  }
0x1d: {  	s30 =	smul.u32 $0x50, s23;
	s24 =	sadd.s32 s7, s24;
	[sflag:s16] =	ssyncadd.s32 $0xFFFFFF80  }
0x1e: {  	[tilespmem:s17], [sflag:$0x2] =	stream.linear.gather [hbm4b:s24+s26], $0x80, $0x38;
	[tilespmem:$0x19100] =	vst v63  }
0x1f: {  	_ =	swait.ge [sflag:s16], $0x80  }
0x20: {  	s24 =	sadd.s32 s11, s30;
	[sflag:s16] =	ssyncset.done $0x0  }
0x21: {  	s24 =	sshll.u32 s24, $0x4;
	[sflag:s16] =	ssyncadd.s32 $0xFFFFFF80  }
0x22: {  	[tilespmem:s19], [sflag:$0x1] =	stream.indirect.gather [hbm4b:s1+s18], $0x80, s26, s18, $0xb8;
	[tilespmem:$0x19100] =	vst v63  }
0x23: {  	s31 =	sadd.s32 s8, s24  }
0x24: {  	[tilespmem:s20], [sflag:$0x2] =	stream.linear.gather [hbm4b:s31+s26], $0x2800, $0x38;
	[tilespmem:$0x19100] =	vst v63  }
0x25: {  	_ =	swait.ge [sflag:s16], $0x2800  }
0x26: {  	[sflag:s16] =	ssyncset.done $0x0  }
0x27: {  	[sflag:s16] =	ssyncadd.s32 $0xFFFFD800  }
0x28: {  	_ =	swait.ge [sflag:s21], $0x2800  }
0x29: {  	[sflag:s21] =	ssyncset.done $0x0  }
0x2a: {  	s25 =	simm.s32 $0x0;
	[sflag:s21] =	ssyncadd.s32 $0xFFFFD800  }
0x2b: {  	v7 =	vld [tilespmem:s25+$0x2900]  }
0x2c: {  	v11 =	vld [tilespmem:s25+$0x2910]  }
0x2d: {  	v5 =	vld [tilespmem:s25+$0x2920]  }
0x2e: {  	v4 =	vld [tilespmem:s25+$0x2930]  }
0x2f: {  	v3 =	vld [tilespmem:s25+$0x2940]  }
0x30: {  	v2 =	vld [tilespmem:s25+$0x2950]  }
0x31: {  	v1 =	vld [tilespmem:s25+$0x2960]  }
0x32: {  	v0 =	vld [tilespmem:s25+$0x2970]  }
0x33: {  	v12 =	vld [tilespmem:s25+$0x100]  }
0x34: {  	v13 =	vld [tilespmem:s25+$0x110]  }
0x35: {  	v10 =	vld [tilespmem:s25+$0x120]  }
0x36: {  	v9 =	vld [tilespmem:s25+$0x130]  }
0x37: {  	v8 =	vld [tilespmem:s25+$0x140]  }
0x38: {  	v6 =	vld [tilespmem:s25+$0x150];
	v12 =	vmul.f32 v7, v12  }
0x39: {  	s26 =	simm.s32 $0x200;
	v11 =	vmul.f32 v11, v13;
	v7 =	vld [tilespmem:s25+$0x160]  }
.LBB2_3:
0x3a: {  	s28 =	sshra.s32 s26, $0x2;
	p0 =	sne.s32 s26, $0x9E00;
	[tilespmem:s25+$0x100] =	vst v12;
	v5 =	vmul.f32 v5, v10;
	v10 =	vld [tilespmem:s25+$0x170]  }
0x3b: {  	v12 =	vld [tilespmem:s28+$0x2900];
	[tilespmem:s25+$0x110] =	vst v11;
	v4 =	vmul.f32 v4, v9  }
0x3c: {  	v11 =	vld [tilespmem:s28+$0x2910];
	[tilespmem:s25+$0x120] =	vst v5;
	v3 =	vmul.f32 v3, v8  }
0x3d: {  	v5 =	vld [tilespmem:s28+$0x2920];
	[tilespmem:s25+$0x130] =	vst v4;
	v2 =	vmul.f32 v2, v6  }
0x3e: {  	v4 =	vld [tilespmem:s28+$0x2930];
	[tilespmem:s25+$0x140] =	vst v3;
	v1 =	vmul.f32 v1, v7  }
0x3f: {  	v3 =	vld [tilespmem:s28+$0x2940];
	[tilespmem:s25+$0x150] =	vst v2;
	v0 =	vmul.f32 v0, v10  }
0x40: {  	v2 =	vld [tilespmem:s28+$0x2950];
	[tilespmem:s25+$0x160] =	vst v1  }
0x41: {  	v1 =	vld [tilespmem:s28+$0x2960];
	[tilespmem:s25+$0x170] =	vst v0;
	s25 =	smov.u32 s28  }
0x42: {  	v0 =	vld [tilespmem:s25+$0x2970]  }
0x43: {  	v6 =	vld [tilespmem:s25+$0x100]  }
0x44: {  	v7 =	vld [tilespmem:s25+$0x110]  }
.Ltmp0:
0x45: {  	v10 =	vld [tilespmem:s25+$0x120];
	(pc) =	sbr.rel @p0 .LBB2_3-.Ltmp0, $4  }
0x46: {  	v9 =	vld [tilespmem:s25+$0x130]  }
0x47: {  	v8 =	vld [tilespmem:s25+$0x140]  }
0x48: {  	v12 =	vmul.f32 v12, v6;
	v6 =	vld [tilespmem:s25+$0x150]  }
0x49: {  	s26 =	sadd.s32 $0x200, s26;
	v11 =	vmul.f32 v11, v7;
	v7 =	vld [tilespmem:s25+$0x160]  }
0x4a: {  	[tilespmem:s25+$0x100] =	vst v12;
	v5 =	vmul.f32 v5, v10;
	v63 =	vld [tilespmem:s25+$0x170]  }
0x4b: {  	[tilespmem:s25+$0x110] =	vst v11;
	v4 =	vmul.f32 v4, v9  }
0x4c: {  	[tilespmem:s25+$0x120] =	vst v5;
	v3 =	vmul.f32 v3, v8  }
0x4d: {  	[tilespmem:s25+$0x130] =	vst v4;
	v2 =	vmul.f32 v2, v6  }
0x4e: {  	[tilespmem:s25+$0x140] =	vst v3;
	v1 =	vmul.f32 v1, v7  }
0x4f: {  	[tilespmem:s25+$0x150] =	vst v2;
	v0 =	vmul.f32 v0, v63  }
0x50: {  	[tilespmem:s25+$0x160] =	vst v1  }
0x51: {  	s24 =	sadd.s32 s2, s24;
	[tilespmem:s25+$0x170] =	vst v0  }
0x52: {  	[hbm4b:s24+s5] =	stream.linear.scatter [tilespmem:s19], [sflag:$0x2], $0x2800, $0x38;
	[tilespmem:$0x19100] =	vst v63  }
0x53: {  	s23 =	sadd.s32 $0x1, s23;
	_ =	swait.ge [sflag:s16], $0x2800  }
0x54: {  	p0 =	sne.s32 s23, $0x7D;
	[sflag:s16] =	ssyncset.done $0x0  }
.Ltmp1:
0x55: {  	[sflag:s16] =	ssyncadd.s32 $0xFFFFD800;
	(pc) =	sbr.rel @p0 .LBB2_2-.Ltmp1, $4  }
0x56: {  	[spmem:s4] =	stream.indirect.scatter.add.f32 [tilespmem:s19], [sflag:$0x2], $0x80, s17, s18, $0xb8;
	[tilespmem:$0x19100] =	vst v63  }
0x57: {  	_ =	swait.ge [sflag:s16], $0x2800  }
0x58: {  	[sflag:s16] =	ssyncset.done $0x0  }
0x59: {  	[sflag:s16] =	ssyncadd.s32 $0xFFFFD800  }
0x5a: {  	s22 =	sadd.s32 $0x1, s22  }
0x5b: {  	p0 =	sne.s32 s22, s14  }
.Ltmp2:
0x5c: {  	[bflag:$0x0] =	sbarrier.arrive $0xFFFF;
	(pc) =	sbr.rel @p0 .LBB2_1-.Ltmp2, $4  }
0x5d: {  	[hbm:s13], [sflag:s10] =	dma.local [spmem:s15], $0x2800  }
0x5e: {  	_ =	swait.ge [sflag:s16], $0x2800  }
0x5f: {  	[sflag:s16] =	ssyncset.done $0x0  }
0x60: {  	[sflag:s16] =	ssyncadd.s32 $0xFFFFD800  }
0x61: {  	_ =	sfence.sel $0x180000  }
0x62: {  	[bflag:$0x0] =	sbarrier.arrive $0xFFFF  }
0x63: {  	p0 =	sne.s32 s3, $0x0;
	_ =	strace $0x90000047  }
0x64: {  	s0 =	sadd.s32 @!p0 $0x100000, s0;
	[bflag:$0x2] =	sbarrier.arrive $0xFFFF  }
0x65: {  	[sflag:s0] =	ssyncadd.tile.s32 @!p0 $0x1;
	_ =	shalt  }
.Lfunc_end2:
_tile_overlayer_lowered:
.L_overlay_start_2:
0x66: {  	(tag) =	ssettag $0x2  }
0x67: {  	s0 =	rddreg [dreg:$0x0];
	s2 =	stileid.u32  }
0x68: {  	s1 =	rddreg [dreg:$0x1];
	p0 =	sne.s32 s2, $0x0  }
0x69: {  	s3 =	rddreg [dreg:$0x2];
	[bflag:$0x3] =	sbarrier.arrive $0xFFFF;
	s2 =	simm.s32 @!p0 $0x1C02  }
0x6a: {  	[timem:s3], [sflag:s2] =	dma.local @!p0 [hbm:s0], s1  }
0x6b: {  	s0 =	simm.s32 @!p0 $0x2  }
0x6c: {  	_ =	swait.ge @!p0 [sflag:s0], s1  }
0x6d: {  	s1 =	ssub.s32 @!p0 $0x0, s1;
	[sflag:s0] =	ssyncset.done @!p0 $0x0  }
0x6e: {  	[sflag:s0] =	ssyncadd.s32 @!p0 s1  }
0x6f: {  	[bflag:$0x3] =	sbarrier.arrive $0xFFFF  }
0x70: {  	_ =	shalt  }

</sc_bundles>
